<compile_context>
chip_gen: v7x
topology: tpu7x:2x2x1
jax: 0.10.2.dev20260603
libtpu: 0.0.44.dev20260713+nightly
codegen_flags: <defaults>
</compile_context>

<pallas_src>
import jax
import jax.numpy as jnp
from jax import lax
from jax.experimental import pallas as pl
from jax.experimental.pallas import tpu as pltpu
from jax.experimental.pallas import tpu_sc as plsc

NC = 2
NS = 16
NW = NC * NS
CHUNK = 128
VB = 65536
QW = 16384


def _tc_body(in_ref, out_ref):
    x = in_ref[...]
    z = jnp.concatenate(
        [x[:, q * QW : (q + 1) * QW] for q in range(VB // QW)], axis=0
    )
    out_ref[...] = jnp.transpose(z)


def _relayout(table_t):
    D, V = table_t.shape
    grid = (V + VB - 1) // VB
    return pl.pallas_call(
        _tc_body,
        grid=(grid,),
        in_specs=[pl.BlockSpec((D, VB), lambda i: (0, i))],
        out_specs=pl.BlockSpec((QW, 128), lambda i: (i, 0)),
        out_shape=jax.ShapeDtypeStruct((grid * QW, 128), jnp.float32),
    )(table_t)


def _make_body(B, L, D, BPW, NCHUNK, NSTREAM):
    def body(idx_hbm, table_hbm, out_hbm, idx_v, acc_v, sem):
        wid = lax.axis_index("s") * NC + lax.axis_index("c")
        pltpu.sync_copy(idx_hbm.at[:, wid], idx_v)

        zeros = jnp.zeros((16,), jnp.float32)

        def zero_row(b, carry):
            for h in range(D // 16):
                acc_v[b, pl.ds(h * 16, 16)] = zeros
            return carry

        lax.fori_loop(0, BPW, zero_row, 0)

        def fire(r, carry):
            l = r // NCHUNK
            c = lax.rem(r, NCHUNK)
            pltpu.async_copy(
                table_hbm.at[idx_v.at[l, pl.ds(c * CHUNK, CHUNK)]],
                acc_v.at[pl.ds(c * CHUNK, CHUNK)],
                sem,
                add=True,
            )
            return carry

        lax.fori_loop(0, NSTREAM, fire, 0)

        def drain(r, carry):
            pltpu.make_async_copy(
                table_hbm.at[idx_v.at[0, pl.ds(0, CHUNK)]],
                acc_v.at[pl.ds(0, CHUNK)],
                sem,
            ).wait()
            return carry

        lax.fori_loop(0, NSTREAM, drain, 0)

        scale = jnp.float32(1.0 / L)

        def scale_row(b, carry):
            for h in range(D // 16):
                acc_v[b, pl.ds(h * 16, 16)] = acc_v[b, pl.ds(h * 16, 16)] * scale
            return carry

        lax.fori_loop(0, BPW, scale_row, 0)
        pltpu.sync_copy(acc_v, out_hbm.at[pl.ds(wid * BPW, BPW)])

    return body


def kernel(inputs, table):
    B, L = inputs.shape
    V, D = table.shape
    BPW = B // NW
    NCHUNK = BPW // CHUNK
    NSTREAM = L * NCHUNK

    v = inputs.astype(jnp.int32)
    j = v % VB
    pi = (v - j) + (v % QW) * 4 + j // QW
    idx = pi.T.reshape(L, NW, BPW)

    table_q = _relayout(table.T)
    table_rm = table_q.reshape(table_q.shape[0] * (128 // D), D)

    mesh = plsc.VectorSubcoreMesh(
        core_axis_name="c", subcore_axis_name="s", num_cores=NC, num_subcores=NS
    )
    f = pl.kernel(
        _make_body(B, L, D, BPW, NCHUNK, NSTREAM),
        out_type=jax.ShapeDtypeStruct((B, D), jnp.float32),
        mesh=mesh,
        scratch_types=[
            pltpu.VMEM((L, BPW), jnp.int32),
            pltpu.VMEM((BPW, D), jnp.float32),
            pltpu.SemaphoreType.DMA,
        ],
        compiler_params=pltpu.CompilerParams(
            use_tc_tiling_on_sc=False, needs_layout_passes=False
        ),
    )
    return f(idx, table_rm)

# --- scband reference (transcript-rebuilt; emitter-appended) ---
"""Pipeline reference for scband-flat-embedding-39213051412665 (READ-ONLY COPY).

The authoritative reference and input builder live on the scoring server;
editing this copy changes nothing except your own understanding.
"""

import jax, jax.numpy as jnp
import numpy as np

VOCAB = 1000000
DIM = 32
BATCH = 16384
SEQ = 50

def setup_inputs(seed: int = 0) -> dict:
    key = jax.random.key(seed)
    k_idx, k_emb = jax.random.split(key)
    inputs = jax.random.randint(k_idx, (BATCH, SEQ), 0, VOCAB, dtype=jnp.int64 if jax.config.jax_enable_x64 else jnp.int32)
    table = jax.random.normal(k_emb, (VOCAB, DIM), dtype=jnp.float32) * 0.05
    return {"inputs": inputs, "table": table}

def reference(inputs, table):
    # Embedding lookup: [B, L] -> [B, L, D]
    emb = jnp.take(table, inputs, axis=0)
    # GlobalAveragePooling1D over the sequence axis (mask_zero=False -> plain mean)
    out = jnp.mean(emb, axis=1)
    return out

if __name__ == "__main__":
    import jax
    _d = setup_inputs()
    print(jax.jit(kernel)(*tuple(_d.values())))

</pallas_src>

<mosaic_0001>
#map = affine_map<(d0, d1) -> (0, 0, 0)>
#map1 = affine_map<(d0, d1) -> (0, 0)>
module attributes {stable_mosaic.version = 14 : i64} {
  func.func @body(%arg0: i32, %arg1: i32, %arg2: memref<50x32x512xi32, #tpu.memory_space<hbm>>, %arg3: memref<1048576x32xf32, #tpu.memory_space<hbm>>, %arg4: memref<16384x32xf32, #tpu.memory_space<hbm>>, %arg5: memref<50x512xi32, #tpu.memory_space<vmem>>, %arg6: memref<512x32xf32, #tpu.memory_space<vmem>>, %arg7: memref<!tpu.dma_semaphore, #tpu.memory_space<semaphore_mem>>) attributes {dimension_semantics = [#tpu.dimension_semantics<core_parallel>, #tpu.dimension_semantics<subcore_parallel>], iteration_bounds = array<i64: 2, 16>, scalar_prefetch = 0 : i64, scratch_operands = 3 : i64, tpu.core_type = #tpu.core_type<sc_vector_subcore>, window_params = [{transform_indices = #map}, {transform_indices = #map1}, {transform_indices = #map1}]} {
    %mul3A = arith.constant 2 : i32
    %mul3A_0 = arith.muli %arg1, %mul3A : i32
    %add3A = arith.addi %mul3A_0, %arg0 : i32
    "tpu.region"() ({
      %run_scoped3A = tpu.sem_alloc : memref<!tpu.dma_semaphore, #tpu.memory_space<semaphore_mem>>
      %dma_start3A = arith.constant 0 : i32
      %dma_start3A_28 = arith.constant 0 : i32
      %dma_start3A_29 = tpu.memref_slice %arg2[%dma_start3A, %add3A, %dma_start3A_28] : memref<50x32x512xi32, #tpu.memory_space<hbm>> -> memref<50x1x512xi32, #tpu.memory_space<hbm>>
      %dma_start3A_30 = tpu.memref_squeeze %dma_start3A_29 : memref<50x1x512xi32, #tpu.memory_space<hbm>> -> memref<50x512xi32, #tpu.memory_space<hbm>>
      %dma_start3A_31 = arith.constant 0 : i32
      %dma_start3A_32 = arith.constant 0 : i32
      %dma_start3A_33 = tpu.memref_slice %arg2[%dma_start3A_31, %add3A, %dma_start3A_32] : memref<50x32x512xi32, #tpu.memory_space<hbm>> -> memref<50x1x512xi32, #tpu.memory_space<hbm>>
      %dma_start3A_34 = tpu.memref_squeeze %dma_start3A_33 : memref<50x1x512xi32, #tpu.memory_space<hbm>> -> memref<50x512xi32, #tpu.memory_space<hbm>>
      tpu.enqueue_dma source(%dma_start3A_34 : memref<50x512xi32, #tpu.memory_space<hbm>>) target(%arg5 : memref<50x512xi32, #tpu.memory_space<vmem>>) target_semaphore(%run_scoped3A : memref<!tpu.dma_semaphore, #tpu.memory_space<semaphore_mem>>)
      %dma_wait3A = arith.constant 0 : i32
      %dma_wait3A_35 = arith.constant 0 : i32
      %dma_wait3A_36 = tpu.memref_slice %arg2[%dma_wait3A, %add3A, %dma_wait3A_35] : memref<50x32x512xi32, #tpu.memory_space<hbm>> -> memref<50x1x512xi32, #tpu.memory_space<hbm>>
      %dma_wait3A_37 = tpu.memref_squeeze %dma_wait3A_36 : memref<50x1x512xi32, #tpu.memory_space<hbm>> -> memref<50x512xi32, #tpu.memory_space<hbm>>
      %dma_wait3A_38 = arith.constant 0 : i32
      %dma_wait3A_39 = arith.constant 0 : i32
      %dma_wait3A_40 = tpu.memref_slice %arg2[%dma_wait3A_38, %add3A, %dma_wait3A_39] : memref<50x32x512xi32, #tpu.memory_space<hbm>> -> memref<50x1x512xi32, #tpu.memory_space<hbm>>
      %dma_wait3A_41 = tpu.memref_squeeze %dma_wait3A_40 : memref<50x1x512xi32, #tpu.memory_space<hbm>> -> memref<50x512xi32, #tpu.memory_space<hbm>>
      tpu.wait_dma2 semaphore(%run_scoped3A : memref<!tpu.dma_semaphore, #tpu.memory_space<semaphore_mem>>) src(%dma_wait3A_41 : memref<50x512xi32, #tpu.memory_space<hbm>>) dst(%arg5 : memref<50x512xi32, #tpu.memory_space<vmem>>)
      tpu.yield
    }) : () -> ()
    %broadcast_in_dim3A = arith.constant 0.000000e+00 : f32
    %broadcast_in_dim3A_1 = vector.broadcast %broadcast_in_dim3A : f32 to vector<16xf32>
    %scan3A = arith.constant 0 : i32
    %scan3A_2 = arith.constant 0 : i32
    %scan3A_3 = arith.constant 512 : i32
    %scan3A_4 = arith.addi %scan3A_2, %scan3A_3 : i32
    %scan3A_5 = arith.constant 1 : i32
    scf.for %scan3A_28 = %scan3A_2 to %scan3A_4 step %scan3A_5  : i32 {
      %swap3A = arith.index_cast %scan3A_28 : i32 to index
      %swap3A_29 = arith.constant 0 : index
      %swap3A_30 = tpu.vector_load %arg6[%swap3A, %swap3A_29] {strides = array<i32>} : memref<512x32xf32, #tpu.memory_space<vmem>>, vector<16xf32>,
      tpu.vector_store %arg6[%swap3A, %swap3A_29], %broadcast_in_dim3A_1 {strides = array<i32>} : memref<512x32xf32, #tpu.memory_space<vmem>>, vector<16xf32>,
      %swap3A_31 = arith.index_cast %scan3A_28 : i32 to index
      %swap3A_32 = arith.constant 16 : index
      %swap3A_33 = tpu.vector_load %arg6[%swap3A_31, %swap3A_32] {strides = array<i32>} : memref<512x32xf32, #tpu.memory_space<vmem>>, vector<16xf32>,
      tpu.vector_store %arg6[%swap3A_31, %swap3A_32], %broadcast_in_dim3A_1 {strides = array<i32>} : memref<512x32xf32, #tpu.memory_space<vmem>>, vector<16xf32>,
    }
    %scan3A_6 = arith.constant 512 : i32
    %scan3A_7 = arith.constant 0 : i32
    %scan3A_8 = arith.constant 0 : i32
    %scan3A_9 = arith.constant 200 : i32
    %scan3A_10 = arith.addi %scan3A_8, %scan3A_9 : i32
    %scan3A_11 = arith.constant 1 : i32
    scf.for %scan3A_28 = %scan3A_8 to %scan3A_10 step %scan3A_11  : i32 {
      %jit3A = arith.constant 4 : i32
      %div3A = arith.divsi %scan3A_28, %jit3A : i32
      %sign3A = arith.constant 0 : i32
      %sign3A_29 = arith.cmpi sgt, %scan3A_28, %sign3A : i32
      %sign3A_30 = arith.extui %sign3A_29 : i1 to i32
      %sign3A_31 = arith.constant 0 : i32
      %sign3A_32 = arith.cmpi slt, %scan3A_28, %sign3A_31 : i32
      %sign3A_33 = arith.extui %sign3A_32 : i1 to i32
      %sign3A_34 = arith.subi %sign3A_30, %sign3A_33 : i32
      %sign3A_35 = arith.constant 0 : i32
      %sign3A_36 = arith.cmpi sgt, %jit3A, %sign3A_35 : i32
      %sign3A_37 = arith.extui %sign3A_36 : i1 to i32
      %sign3A_38 = arith.constant 0 : i32
      %sign3A_39 = arith.cmpi slt, %jit3A, %sign3A_38 : i32
      %sign3A_40 = arith.extui %sign3A_39 : i1 to i32
      %sign3A_41 = arith.subi %sign3A_37, %sign3A_40 : i32
      %ne3A = arith.cmpi ne, %sign3A_34, %sign3A_41 : i32
      %rem3A = arith.remsi %scan3A_28, %jit3A : i32
      %ne3A_42 = arith.constant 0 : i32
      %ne3A_43 = arith.cmpi ne, %rem3A, %ne3A_42 : i32
      %and3A = arith.andi %ne3A, %ne3A_43 : i1
      %sub3A = arith.constant 1 : i32
      %sub3A_44 = arith.subi %div3A, %sub3A : i32
      %select_n3A = arith.select %and3A, %sub3A_44, %div3A : i32
      %rem3A_45 = arith.constant 4 : i32
      %rem3A_46 = arith.remsi %scan3A_28, %rem3A_45 : i32
      %mul3A_47 = arith.constant 128 : i32
      %mul3A_48 = arith.muli %rem3A_46, %mul3A_47 : i32
      %mul3A_49 = arith.constant 128 : i32
      %mul3A_50 = arith.muli %rem3A_46, %mul3A_49 : i32
      %dma_start3A = arith.constant 0 : i32
      %dma_start3A_51 = tpu.memref_slice %arg6[%mul3A_50, %dma_start3A] : memref<512x32xf32, #tpu.memory_space<vmem>> -> memref<128x32xf32, #tpu.memory_space<vmem>>
      %dma_start3A_52 = tpu.memref_slice %arg5[%select_n3A, %mul3A_48] : memref<50x512xi32, #tpu.memory_space<vmem>> -> memref<1x128xi32, #tpu.memory_space<vmem>>
      %dma_start3A_53 = tpu.memref_squeeze %dma_start3A_52 : memref<1x128xi32, #tpu.memory_space<vmem>> -> memref<128xi32, #tpu.memory_space<vmem>>
      %dma_start3A_54 = arith.constant 0 : i32
      %dma_start3A_55 = arith.constant 0 : i32
      %dma_start3A_56 = tpu.memref_slice %arg3[%dma_start3A_54, %dma_start3A_55] : memref<1048576x32xf32, #tpu.memory_space<hbm>> -> memref<1048576x32xf32, #tpu.memory_space<hbm>>
      tpu.enqueue_indirect_dma source(%dma_start3A_56 : memref<1048576x32xf32, #tpu.memory_space<hbm>>) target(%dma_start3A_51 : memref<128x32xf32, #tpu.memory_space<vmem>>) offsets(%dma_start3A_53 : memref<128xi32, #tpu.memory_space<vmem>>) semaphore(%arg7 : memref<!tpu.dma_semaphore, #tpu.memory_space<semaphore_mem>>) {add = true}
    }
    %scan3A_12 = arith.constant 200 : i32
    %scan3A_13 = arith.constant 0 : i32
    %scan3A_14 = arith.constant 0 : i32
    %scan3A_15 = arith.constant 200 : i32
    %scan3A_16 = arith.addi %scan3A_14, %scan3A_15 : i32
    %scan3A_17 = arith.constant 1 : i32
    scf.for %scan3A_28 = %scan3A_14 to %scan3A_16 step %scan3A_17  : i32 {
      %dma_wait3A = arith.constant 0 : i32
      %dma_wait3A_29 = arith.constant 0 : i32
      %dma_wait3A_30 = arith.constant 0 : i32
      %dma_wait3A_31 = tpu.memref_slice %arg6[%dma_wait3A_29, %dma_wait3A_30] : memref<512x32xf32, #tpu.memory_space<vmem>> -> memref<128x32xf32, #tpu.memory_space<vmem>>
      %dma_wait3A_32 = arith.constant 0 : i32
      %dma_wait3A_33 = tpu.memref_slice %arg5[%dma_wait3A, %dma_wait3A_32] : memref<50x512xi32, #tpu.memory_space<vmem>> -> memref<1x128xi32, #tpu.memory_space<vmem>>
      %dma_wait3A_34 = tpu.memref_squeeze %dma_wait3A_33 : memref<1x128xi32, #tpu.memory_space<vmem>> -> memref<128xi32, #tpu.memory_space<vmem>>
      %dma_wait3A_35 = arith.constant 0 : i32
      %dma_wait3A_36 = arith.constant 0 : i32
      %dma_wait3A_37 = tpu.memref_slice %arg3[%dma_wait3A_35, %dma_wait3A_36] : memref<1048576x32xf32, #tpu.memory_space<hbm>> -> memref<1048576x32xf32, #tpu.memory_space<hbm>>
      tpu.wait_indirect_dma semaphore(%arg7 : memref<!tpu.dma_semaphore, #tpu.memory_space<semaphore_mem>>) src(%dma_wait3A_37 : memref<1048576x32xf32, #tpu.memory_space<hbm>>) dst(%dma_wait3A_31 : memref<128x32xf32, #tpu.memory_space<vmem>>)
    }
    %scan3A_18 = arith.constant 200 : i32
    %scan3A_19 = arith.constant 0 : i32
    %scan3A_20 = arith.constant 2.000000e-02 : f32
    %scan3A_21 = arith.constant 0 : i32
    %scan3A_22 = arith.constant 512 : i32
    %scan3A_23 = arith.addi %scan3A_21, %scan3A_22 : i32
    %scan3A_24 = arith.constant 1 : i32
    scf.for %scan3A_28 = %scan3A_21 to %scan3A_23 step %scan3A_24  : i32 {
      %get3A = arith.index_cast %scan3A_28 : i32 to index
      %get3A_29 = arith.constant 0 : index
      %get3A_30 = tpu.vector_load %arg6[%get3A, %get3A_29] {strides = array<i32>} : memref<512x32xf32, #tpu.memory_space<vmem>>, vector<16xf32>,
      %mul3A_31 = vector.broadcast %scan3A_20 : f32 to vector<16xf32>
      %mul3A_32 = arith.mulf %get3A_30, %mul3A_31 : vector<16xf32>
      %swap3A = arith.index_cast %scan3A_28 : i32 to index
      %swap3A_33 = arith.constant 0 : index
      %swap3A_34 = tpu.vector_load %arg6[%swap3A, %swap3A_33] {strides = array<i32>} : memref<512x32xf32, #tpu.memory_space<vmem>>, vector<16xf32>,
      tpu.vector_store %arg6[%swap3A, %swap3A_33], %mul3A_32 {strides = array<i32>} : memref<512x32xf32, #tpu.memory_space<vmem>>, vector<16xf32>,
      %get3A_35 = arith.index_cast %scan3A_28 : i32 to index
      %get3A_36 = arith.constant 16 : index
      %get3A_37 = tpu.vector_load %arg6[%get3A_35, %get3A_36] {strides = array<i32>} : memref<512x32xf32, #tpu.memory_space<vmem>>, vector<16xf32>,
      %mul3A_38 = vector.broadcast %scan3A_20 : f32 to vector<16xf32>
      %mul3A_39 = arith.mulf %get3A_37, %mul3A_38 : vector<16xf32>
      %swap3A_40 = arith.index_cast %scan3A_28 : i32 to index
      %swap3A_41 = arith.constant 16 : index
      %swap3A_42 = tpu.vector_load %arg6[%swap3A_40, %swap3A_41] {strides = array<i32>} : memref<512x32xf32, #tpu.memory_space<vmem>>, vector<16xf32>,
      tpu.vector_store %arg6[%swap3A_40, %swap3A_41], %mul3A_39 {strides = array<i32>} : memref<512x32xf32, #tpu.memory_space<vmem>>, vector<16xf32>,
    }
    %scan3A_25 = arith.constant 512 : i32
    %mul3A_26 = arith.constant 512 : i32
    %mul3A_27 = arith.muli %add3A, %mul3A_26 : i32
    "tpu.region"() ({
      %run_scoped3A = tpu.sem_alloc : memref<!tpu.dma_semaphore, #tpu.memory_space<semaphore_mem>>
      %dma_start3A = arith.constant 0 : i32
      %dma_start3A_28 = tpu.memref_slice %arg4[%mul3A_27, %dma_start3A] : memref<16384x32xf32, #tpu.memory_space<hbm>> -> memref<512x32xf32, #tpu.memory_space<hbm>>
      %dma_start3A_29 = arith.constant 0 : i32
      %dma_start3A_30 = tpu.memref_slice %arg4[%mul3A_27, %dma_start3A_29] : memref<16384x32xf32, #tpu.memory_space<hbm>> -> memref<512x32xf32, #tpu.memory_space<hbm>>
      tpu.enqueue_dma source(%arg6 : memref<512x32xf32, #tpu.memory_space<vmem>>) target(%dma_start3A_30 : memref<512x32xf32, #tpu.memory_space<hbm>>) target_semaphore(%run_scoped3A : memref<!tpu.dma_semaphore, #tpu.memory_space<semaphore_mem>>)
      %dma_wait3A = arith.constant 0 : i32
      %dma_wait3A_31 = tpu.memref_slice %arg4[%mul3A_27, %dma_wait3A] : memref<16384x32xf32, #tpu.memory_space<hbm>> -> memref<512x32xf32, #tpu.memory_space<hbm>>
      %dma_wait3A_32 = arith.constant 0 : i32
      %dma_wait3A_33 = tpu.memref_slice %arg4[%mul3A_27, %dma_wait3A_32] : memref<16384x32xf32, #tpu.memory_space<hbm>> -> memref<512x32xf32, #tpu.memory_space<hbm>>
      tpu.wait_dma2 semaphore(%run_scoped3A : memref<!tpu.dma_semaphore, #tpu.memory_space<semaphore_mem>>) src(%arg6 : memref<512x32xf32, #tpu.memory_space<vmem>>) dst(%dma_wait3A_33 : memref<512x32xf32, #tpu.memory_space<hbm>>)
      tpu.yield
    }) : () -> ()
    return
  }
}

module attributes {stable_mosaic.version = 14 : i64} {
  func.func @_tc_body(%arg0: i32, %arg1: memref<32x65536xf32, #tpu.memory_space<vmem>>, %arg2: memref<16384x128xf32, #tpu.memory_space<vmem>>) attributes {dimension_semantics = [#tpu.dimension_semantics<arbitrary>], iteration_bounds = array<i64: 16>, scalar_prefetch = 0 : i64, scratch_operands = 0 : i64, tpu.core_type = #tpu.core_type<tc>, window_params = [{transform_indices = @transform_0, window_bounds = array<i64: 32, 65536>}, {transform_indices = @transform_1, window_bounds = array<i64: 16384, 128>}]} {
    %get3A = arith.constant 0 : index
    %get3A_0 = arith.constant 0 : index
    %get3A_1 = vector.load %arg1[%get3A, %get3A_0] : memref<32x65536xf32, #tpu.memory_space<vmem>>, vector<32x65536xf32>
    %slice3A = vector.extract_strided_slice %get3A_1 {offsets = [0, 0], sizes = [32, 16384], strides = [1, 1]} : vector<32x65536xf32> to vector<32x16384xf32>
    %slice3A_2 = vector.extract_strided_slice %get3A_1 {offsets = [0, 16384], sizes = [32, 16384], strides = [1, 1]} : vector<32x65536xf32> to vector<32x16384xf32>
    %slice3A_3 = vector.extract_strided_slice %get3A_1 {offsets = [0, 32768], sizes = [32, 16384], strides = [1, 1]} : vector<32x65536xf32> to vector<32x16384xf32>
    %slice3A_4 = vector.extract_strided_slice %get3A_1 {offsets = [0, 49152], sizes = [32, 16384], strides = [1, 1]} : vector<32x65536xf32> to vector<32x16384xf32>
    %concatenate3A = tpu.concatenate %slice3A, %slice3A_2, %slice3A_3, %slice3A_4 in 0 : vector<32x16384xf32>, vector<32x16384xf32>, vector<32x16384xf32>, vector<32x16384xf32> -> vector<128x16384xf32>
    %transpose3A = tpu.transpose %concatenate3A, [1, 0] : vector<128x16384xf32> -> vector<16384x128xf32>
    %swap3A = arith.constant 0 : index
    %swap3A_5 = arith.constant 0 : index
    %swap3A_6 = vector.load %arg2[%swap3A, %swap3A_5] : memref<16384x128xf32, #tpu.memory_space<vmem>>, vector<16384x128xf32>
    tpu.vector_store %arg2[%swap3A, %swap3A_5], %transpose3A {strides = array<i32>} : memref<16384x128xf32, #tpu.memory_space<vmem>>, vector<16384x128xf32>,
    return
  }
  func.func @transform_0(%arg0: i32) -> (i32, i32) {
    %c0_i32 = arith.constant 0 : i32
    %c0_i32_0 = arith.constant 0 : i32
    return %c0_i32, %arg0 : i32, i32
  }
  func.func @transform_1(%arg0: i32) -> (i32, i32) {
    %c0_i32 = arith.constant 0 : i32
    %c0_i32_0 = arith.constant 0 : i32
    return %arg0, %c0_i32 : i32, i32
  }
}

</mosaic_0001>

<sc_bundles>
// kernel: kernel.4.cloned.1.call-start
scs
__scs_entry_jumppad:
0x0: {  	(pc) =	sbr.rel $0x88, $3  }
0x1: {  	(tag) =	ssettag $0x0;
	lr =	simm.s32 $0x1  }
0x2: {  	[smem:$0x3F9F] =	sst lr;
	_ =	strace $0xD0000000  }
0x3: {  	_ = 	snop  }
0x4: {  	_ = 	snop  }
0x5: {  	_ = 	snop  }
0x6: {  	_ = 	snop  }
0x7: {  	_ = 	snop  }
__scs_overlays_trampoline_lowered:
0x8: {  	[smem:$0x3FAE] =	sst s0  }
0x9: {  	[smem:$0x3FAF] =	sst s1  }
0xa: {  	[smem:$0x3FB0] =	sst s2  }
0xb: {  	[smem:$0x3FB1] =	sst s3  }
0xc: {  	[smem:$0x3FB2] =	sst s4  }
0xd: {  	[smem:$0x3FB3] =	sst s5  }
0xe: {  	[smem:$0x3FB4] =	sst s6  }
0xf: {  	[smem:$0x3FB5] =	sst s7  }
0x10: {  	[smem:$0x3FB6] =	sst s8  }
0x11: {  	[smem:$0x3FB7] =	sst s9;
	s0 =	simm.s32 @!p0 $0x0  }
0x12: {  	s1 =	sld [smem:$0x3F9D];
	s0 =	simm.s32 @p0 $0x1  }
0x13: {  	[smem:$0x3FB8] =	sst s0;
	s0 =	simm.s32 @!p1 $0x0  }
0x14: {  	s2 =	sld [smem:$0x3F9C];
	s0 =	simm.s32 @p1 $0x1  }
0x15: {  	[smem:$0x3FB9] =	sst s0;
	s0 =	simm.s32 @!p2 $0x0  }
0x16: {  	s3 =	sld [smem:$0x3FDB];
	s0 =	simm.s32 @p2 $0x1  }
0x17: {  	s4 =	simm.s32 $0x1BF5;
	[smem:$0x3FBB] =	sst s0  }
0x18: {  	s0 =	sld [smem:$0x3F9E];
	_ =	swait.ge [sflag:s4], $0x0  }
0x19: {  	s7 =	sld [smem:$0x3F9F]  }
0x1a: {  	s8 =	sadd.s32 $0xFFFFE003, lr  }
0x1b: {  	s9 =	sadd.s32 $0xFFFFFEF7, lr;
	s5 =	simm.s32 $0xFFFFFFFF;
	p2 =	slt.u32 s8, $0xFFFFF086  }
0x1c: {  	p1 =	slt.u32 s9, $0xF7A;
	s5 =	simm.s32 @!p2 $0x0  }
0x1d: {  	s5 =	simm.s32 @p1 $0x1;
	p0 =	seq.s32 s7, s2  }
0x1e: {  	s7 =	smul.u32 @!p0 $0xF7A, s2;
	p2 =	seq.s32 @!p0 s5, $0x0  }
0x1f: {  	s9 =	smul.u32 $0xF7A, s1;
	s8 =	simm.s32 @!p0 $0x1BF5;
	p2 =	por !p2, p0  }
0x20: {  	[sflag:s8] =	ssyncset.s32 @!p0 $0xFFFFF086;
	s6 =	sadd.s32 @!p0 s3, s7;
	s7 =	simm.s32 @!p0 $0x108  }
0x21: {  	s3 =	sadd.s32 s3, s9;
	s6 =	sadd.s32 @!p0 $0x88, s6;
	s7 =	simm.s32 @p2 $0x1082  }
0x22: {  	[simem:s7], [sflag:s8] =	dma.local @!p0 [hbm:s6], $0xF7A  }
0x23: {  	s9 =	sor.u32 $0xD0000000, s2;
	s6 =	simm.s32 $0x108;
	_ =	swait.ge @!p0 [sflag:s8], $0x0  }
0x24: {  	s3 =	sadd.s32 $0x88, s3;
	s6 =	simm.s32 @!p1 $0x1082;
	[sflag:s4] =	ssyncset.s32 $0xFFFFF086  }
0x25: {  	[simem:s6], [sflag:s4] =	dma.local [hbm:s3], $0xF7A  }
0x26: {  	[smem:$0x3F9F] =	sst s1;
	(tag) =	ssettag s2;
	_ =	strace s9  }
0x27: {  	s1 =	sld [smem:$0x3FAF]  }
0x28: {  	s2 =	sld [smem:$0x3FB0]  }
0x29: {  	s4 =	sld [smem:$0x3FB2]  }
0x2a: {  	p0 =	seq.s32 s5, $0x0;
	s5 =	sld [smem:$0x3FB3]  }
0x2b: {  	s6 =	sld [smem:$0x3FB4]  }
0x2c: {  	s7 =	sld [smem:$0x3FB5]  }
0x2d: {  	s3 =	simm.s32 $0x108;
	s8 =	sld [smem:$0x3FB6]  }
0x2e: {  	s3 =	simm.s32 @!p0 $0x1082;
	s9 =	sld [smem:$0x3FB7]  }
0x2f: {  	lr =	sadd.s32 s0, s3;
	s0 =	sld [smem:$0x3FAE]  }
0x30: {  	s3 =	sld [smem:$0x3FB1]  }
0x31: {  	[smem:$0x3FBA] =	sst s10  }
0x32: {  	s10 =	sld [smem:$0x3FB8];
	_ =	sdelay $0x3  }
0x33: {  	p0 =	seq.s32 s10, $0x1;
	s10 =	sld [smem:$0x3FBA];
	_ =	sdelay $0x3  }
0x34: {  	[smem:$0x3FBA] =	sst s10  }
0x35: {  	s10 =	sld [smem:$0x3FB9];
	_ =	sdelay $0x3  }
0x36: {  	p1 =	seq.s32 s10, $0x1;
	s10 =	sld [smem:$0x3FBA];
	_ =	sdelay $0x3  }
0x37: {  	[smem:$0x3FBA] =	sst s10  }
0x38: {  	s10 =	sld [smem:$0x3FBB]  }
0x39: {  	_ = 	snop;
	(pc) =	sbr.ind lr, $3  }
0x3a: {  	_ = 	snop  }
0x3b: {  	_ = 	snop  }
0x3c: {  	p2 =	seq.s32 s10, $0x1;
	s10 =	sld [smem:$0x3FBA]  }
0x3d: {  	_ =	shalt  }
0x3e: {  	_ =	shalt  }
0x3f: {  	_ =	shalt  }
0x40: {  	_ =	shalt  }
0x41: {  	_ =	shalt  }
0x42: {  	_ =	shalt  }
0x43: {  	_ =	shalt  }
0x44: {  	_ =	shalt  }
0x45: {  	_ =	shalt  }
0x46: {  	_ =	shalt  }
0x47: {  	_ =	shalt  }
0x48: {  	_ =	shalt  }
0x49: {  	_ =	shalt  }
0x4a: {  	_ =	shalt  }
0x4b: {  	_ =	shalt  }
0x4c: {  	_ =	shalt  }
0x4d: {  	_ =	shalt  }
0x4e: {  	_ =	shalt  }
0x4f: {  	_ =	shalt  }
0x50: {  	_ =	shalt  }
0x51: {  	_ =	shalt  }
0x52: {  	_ =	shalt  }
0x53: {  	_ =	shalt  }
0x54: {  	_ =	shalt  }
0x55: {  	_ =	shalt  }
0x56: {  	_ =	shalt  }
0x57: {  	_ =	shalt  }
0x58: {  	_ =	shalt  }
0x59: {  	_ =	shalt  }
0x5a: {  	_ =	shalt  }
0x5b: {  	_ =	shalt  }
0x5c: {  	_ =	shalt  }
0x5d: {  	_ =	shalt  }
0x5e: {  	_ =	shalt  }
0x5f: {  	_ =	shalt  }
0x60: {  	_ =	shalt  }
0x61: {  	_ =	shalt  }
0x62: {  	_ =	shalt  }
0x63: {  	_ =	shalt  }
0x64: {  	_ =	shalt  }
0x65: {  	_ =	shalt  }
0x66: {  	_ =	shalt  }
0x67: {  	_ =	shalt  }
0x68: {  	_ =	shalt  }
0x69: {  	_ =	shalt  }
0x6a: {  	_ =	shalt  }
0x6b: {  	_ =	shalt  }
0x6c: {  	_ =	shalt  }
0x6d: {  	_ =	shalt  }
0x6e: {  	_ =	shalt  }
0x6f: {  	_ =	shalt  }
0x70: {  	_ =	shalt  }
0x71: {  	_ =	shalt  }
0x72: {  	_ =	shalt  }
0x73: {  	_ =	shalt  }
0x74: {  	_ =	shalt  }
0x75: {  	_ =	shalt  }
0x76: {  	_ =	shalt  }
0x77: {  	_ =	shalt  }
0x78: {  	_ =	shalt  }
0x79: {  	_ =	shalt  }
0x7a: {  	_ =	shalt  }
0x7b: {  	_ =	shalt  }
0x7c: {  	_ =	shalt  }
0x7d: {  	_ =	shalt  }
0x7e: {  	_ =	shalt  }
0x7f: {  	_ =	shalt  }
0x80: {  	_ =	shalt  }
0x81: {  	_ =	shalt  }
0x82: {  	_ =	shalt  }
0x83: {  	_ =	shalt  }
0x84: {  	_ =	shalt  }
0x85: {  	_ =	shalt  }
0x86: {  	_ =	shalt  }
0x87: {  	_ =	shalt  }
.Lfunc_end0:
.L_simem_size_0:
called_computation_lowered:
.L_overlay_start_0:
0x88: {  	s2 =	sld [smem:$0x3FD9]  }
0x89: {  	s3 =	sld [smem:$0x3FFE];
	_ =	sdelay $0x1  }
0x8a: {  	s1 =	srdreg.scid  }
0x8b: {  	s0 =	sand.u32 $0x1, s1  }
0x8c: {  	s17 =	sshll.u32 s0, $0xA;
	s2 =	sadd.s32 s3, s2  }
0x8d: {  	s2 =	sadd.s32 s2, s17  }
0x8e: {  	[smem:$0x3FC6] =	sst s2  }
0x8f: {  	_ = 	snop  }
0x90: {  	s2 =	sld [smem:$0x3FD0];
	(tm) =	ssettm $0x1  }
0x91: {  	s18 =	sld [smem:$0x3FFB];
	_ =	sdelay $0x3  }
0x92: {  	_ =	strace s18  }
0x93: {  	s3 =	sld [smem:$0x3FFC];
	_ =	sdelay $0x3  }
0x94: {  	_ =	strace s3  }
0x95: {  	s3 =	sld [smem:$0x3FFD];
	_ =	sdelay $0x3  }
0x96: {  	_ =	strace s3  }
0x97: {  	_ =	strace $0x8FFFFFFF  }
0x98: {  	s19 =	sld [smem:$0x3FDB];
	_ =	sdelay $0x1  }
0x99: {  	s4 =	simm.s32 $_scs_section_size  }
0x9a: {  	s5 =	simm.s32 $_size__tile_overlayer_lowered;
	s6 =	simm.s32 $_tile_overlayer_lowered  }
0x9b: {  	s22 =	simm.s32 $0x1BFF;
	s21 =	sshll.u32 s6, $0x1;
	s3 =	sadd.s32 s4, s19  }
0x9c: {  	s7 =	simm.s32 $0x0;
	s20 =	sshll.u32 s5, $0x1;
	s5 =	sadd.s32 s21, s3  }
0x9d: {  	[timem:s7], [sflag:s22] =	dma.local [hbm:s5], s20  }
0x9e: {  	_ =	swait.ge [sflag:s22], s20  }
0x9f: {  	s4 =	ssub.s32 $0x0, s20;
	[sflag:s22] =	ssyncset.done $0x0  }
0xa0: {  	[sflag:s22] =	ssyncadd.s32 s4;
	_ =	sdelay $0x1  }
0xa1: {  	s23 =	simm.s32 $0x1B8B  }
0xa2: {  	_ =	swait.ge [sflag:s23], $0x1  }
0xa3: {  	[sflag:s23] =	ssyncset.done $0x0  }
0xa4: {  	s25 =	simm.s32 $0x1B8E;
	s24 =	sld [smem:$0x3FFE];
	[sflag:s23] =	ssyncadd.s32 $0xFFFFFFFF  }
0xa5: {  	s26 =	simm.s32 $execute0_lowered;
	[smem:$0x3FD2] =	sst s25  }
0xa6: {  	s5 =	sshll.u32 s26, $0x1;
	_ =	strace $0x80000046;
	[dreg:$0x1] =	wrdreg $0xFFFFFFFF  }
0xa7: {  	s28 =	simm.s32 $_size_execute0_lowered;
	s3 =	sadd.s32 s3, s5;
	[dreg:$0x0] =	wrdreg $0x0  }
0xa8: {  	s5 =	sshll.u32 s28, $0x1;
	[dreg:$0x2] =	wrdreg s3  }
0xa9: {  	[dreg:$0x3] =	wrdreg s5  }
0xaa: {  	[dreg:$0x4] =	wrdreg $0xC0  }
0xab: {  	_ =	task [dreg:s7], $0x5FFFF  }
0xac: {  	[dreg:$0x1] =	wrdreg $0xFFFFFFFF  }
0xad: {  	[dreg:$0x0] =	wrdreg $0x60  }
0xae: {  	[dreg:$0x2] =	wrdreg s24  }
0xaf: {  	[dreg:$0x3] =	wrdreg s2  }
0xb0: {  	[dreg:$0x4] =	wrdreg $0x9  }
0xb1: {  	_ =	task.clear_ibuf [dreg:s7], $0x5FFFF;
	_ =	strace $0x90000046  }
0xb2: {  	s29 =	simm.s32 $0x9;
	_ =	strace $0x80000048  }
0xb3: {  	_ =	swait.ge [sflag:s29], $0x1  }
0xb4: {  	[sflag:s29] =	ssyncadd.s32 $0xFFFFFFFF  }
0xb5: {  	_ =	strace $0x90000048  }
0xb6: {  	_ =	sfence  }
0xb7: {  	s30 =	sld [smem:$0x0];
	_ =	sdelay $0x2  }
0xb8: {  	s31 =	sshll.u32 s1, $0xD;
	s1 =	sshrl.u32 s1, $0x2  }
0xb9: {  	s3 =	sand.u32 $0x4000, s31;
	s1 =	sadd.s32 s1, s30  }
0xba: {  	s0 =	sor.u32 s3, s0;
	s1 =	sshll.u32 s1, $0x11  }
0xbb: {  	s0 =	sor.u32 s1, s0  }
0xbc: {  	s0 =	sadd.s32 $0x8F2B, s0  }
0xbd: {  	[sflag:s0] =	ssyncadd.remote.s32 $0x1  }
0xbe: {  	_ =	sfence.sel $0xFFFF  }
0xbf: {  	[dreg:$0x0] =	wrdreg $0xFFFFFFFF;
	(pc) =	sbr.abs _section_cstart, $3  }
0xc0: {  	[dreg:$0x1] =	wrdreg $0xFFFFFFFF  }
0xc1: {  	_ =	task.clear_ibuf [dreg:s7], $0x2FFFF;
	_ =	strace $0x9FFFFFFF  }
0xc2: {  	(tm) =	ssettm $0x7FFFFFFF  }
0xc3: {  	_ =	shalt  }
tec
execute0_lowered:
.L_overlay_start_1:
0x0: {  	(tag) =	ssettag $0x1  }
0x1: {  	s3 =	rddreg [dreg:$0x0]  }
0x2: {  	s5 =	rddreg [dreg:$0x1];
	s2 =	srdreg.scid  }
0x3: {  	s0 =	rddreg [dreg:$0x2];
	s1 =	stileid.u32  }
0x4: {  	s9 =	simm.s32 $0x2;
	s10 =	simm.s32 $0x80;
	s11 =	simm.s32 $0x1  }
0x5: {  	s12 =	simm.s32 $0x6400;
	s13 =	simm.s32 $0x0;
	s4 =	sand.u32 $0x1, s2  }
0x6: {  	s2 =	simm.s32 $0x0;
	s6 =	sshll.u32 s1, $0xA;
	s7 =	sshll.u32 s4, $0x9  }
0x7: {  	[smem:$0x7FF] =	sst s2;
	s4 =	ssub.s32 $0x2, s4;
	s6 =	sor.u32 s7, s6  }
0x8: {  	_ =	strace $0x80000047;
	s8 =	sshrl.u32 s4, $0x1;
	s7 =	sshrl.u32 s6, $0x3  }
0x9: {  	s8 =	ssub.s32 s4, s8;
	s6 =	sshll.u32 s6, $0x2;
	s7 =	sadd.s32 s7, s3  }
0xa: {  	s3 =	sadd.s32 $0x19400, s3;
	s5 =	sadd.s32 s5, s6;
	s6 =	smax.u32 s8, $0x1  }
0xb: {  	v0 =	vimm.f32 $0.0e+00;
	s8 =	simm.s32 $0x4000;
	s4 =	sadd.s32 $0x400, s7;
	s7 =	simm.s32 $0x200  }
.LBB2_1:
0xc: {  	[tilespmem:s2], [sflag:$0x2] =	stream.strided.gather [hbm4b:s4+s7], $0x6400, s8, s7, $0x38;
	[tilespmem:$0xA400] =	vst v63  }
0xd: {  	_ =	swait.ge [sflag:s9], $0x6400  }
0xe: {  	[sflag:s9] =	ssyncset.done $0x0  }
0xf: {  	s14 =	simm.s32 $0x0;
	[sflag:s9] =	ssyncadd.s32 $0xFFFF9C00  }
.LBB2_2:
0x10: {  	p0 =	sne.s32 s14, $0xFF80  }
.Ltmp0:
0x11: {  	_ = 	snop;
	(pc) =	sbr.rel @p0 .LBB2_2-.Ltmp0, $4  }
0x12: {  	_ = 	snop  }
0x13: {  	s15 =	sshra.s32 s14, $0x2  }
0x14: {  	[tilespmem:s15+$0x6400] =	vst v0  }
0x15: {  	s14 =	sadd.s32 $0x80, s14;
	[tilespmem:s15+$0x6410] =	vst v0  }
0x16: {  	s14 =	simm.s32 $0x0  }
0x17: {  	s15 =	sand.u32 $0x3, s14;
	s16 =	sand.u32 $0x1F800, s14  }
0x18: {  	s17 =	sshll.u32 s15, $0xC;
	s16 =	sshrl.u32 s16, $0x2;
	s15 =	sshll.u32 s15, $0x7  }
0x19: {  	s17 =	sadd.s32 $0x6400, s17;
	s15 =	sor.u32 s15, s16  }
0x1a: {  	[tilespmem:s17], [sflag:$0x1] =	stream.indirect.gather.add.f32 [hbm:s3], $0x20, s15, s10, $0xb8;
	[tilespmem:$0xA400] =	vst v63  }
0x1b: {  	s15 =	simm.s32 $0x1  }
.LBB2_4:
0x1c: {  	p0 =	sne.s32 s15, $0xC7  }
.Ltmp1:
0x1d: {  	s16 =	sand.u32 $0x3, s15;
	s14 =	sadd.s32 $0x200, s14;
	(pc) =	sbr.rel @p0 .LBB2_4-.Ltmp1, $4  }
0x1e: {  	s15 =	sadd.s32 $0x1, s15;
	s17 =	sand.u32 $0x1F800, s14  }
0x1f: {  	s18 =	sshll.u32 s16, $0xC;
	s16 =	sshll.u32 s16, $0x7;
	s17 =	sshrl.u32 s17, $0x2  }
0x20: {  	s18 =	sadd.s32 $0x6400, s18;
	s16 =	sor.u32 s16, s17  }
0x21: {  	[tilespmem:s18], [sflag:$0x1] =	stream.indirect.gather.add.f32 [hbm:s3], $0x20, s16, s10, $0xb8;
	[tilespmem:$0xA400] =	vst v63  }
0x22: {  	s14 =	simm.s32 $0xC8  }
.LBB2_6:
0x23: {  	p0 =	sne.s32 s14, $0x1  }
.Ltmp2:
0x24: {  	_ = 	snop;
	(pc) =	sbr.rel @p0 .LBB2_6-.Ltmp2, $4  }
0x25: {  	_ = 	snop  }
0x26: {  	_ =	swait.ge [sflag:s11], $0x1000  }
0x27: {  	[sflag:s11] =	ssyncset.done $0x0  }
0x28: {  	s14 =	sadd.s32 $0xFFFFFFFF, s14;
	[sflag:s11] =	ssyncadd.s32 $0xFFFFF000  }
0x29: {  	s14 =	simm.s32 $0x0  }
0x2a: {  	s15 =	simm.s32 $0x80;
	v1 =	vld [tilespmem:s14+$0x6400]  }
.LBB2_8:
0x2b: {  	p0 =	sne.s32 s15, $0xFF80;
	v2 =	vld [tilespmem:s14+$0x6410];
	_ =	sdelay $0x2  }
.Ltmp3:
0x2c: {  	(pc) =	sbr.rel @p0 .LBB2_8-.Ltmp3, $4  }
0x2d: {  	v1 =	vmul.f32 $1.999999960e-02, v1  }
0x2e: {  	v2 =	vmul.f32 $1.999999960e-02, v2  }
0x2f: {  	s16 =	sshra.s32 s15, $0x2;
	[tilespmem:s14+$0x6400] =	vst v1  }
0x30: {  	s15 =	sadd.s32 $0x80, s15;
	v1 =	vld [tilespmem:s16+$0x6400];
	[tilespmem:s14+$0x6410] =	vst v2;
	s14 =	smov.u32 s16  }
0x31: {  	v2 =	vld [tilespmem:s14+$0x6410];
	_ =	sdelay $0x3  }
0x32: {  	v1 =	vmul.f32 $1.999999960e-02, v1  }
0x33: {  	s13 =	sadd.s32 $0x1, s13;
	v2 =	vmul.f32 $1.999999960e-02, v2  }
0x34: {  	p0 =	sne.s32 s13, s6;
	[tilespmem:s14+$0x6400] =	vst v1  }
.Ltmp4:
0x35: {  	[tilespmem:s14+$0x6410] =	vst v2;
	(pc) =	sbr.rel @p0 .LBB2_1-.Ltmp4, $4  }
0x36: {  	[hbm4b:s5+s2] =	stream.linear.scatter [tilespmem:s12], [sflag:$0x2], $0x4000, $0x38;
	[tilespmem:$0xA400] =	vst v63  }
0x37: {  	_ =	swait.ge [sflag:s9], $0x4000  }
0x38: {  	[sflag:s9] =	ssyncset.done $0x0  }
0x39: {  	[sflag:s9] =	ssyncadd.s32 $0xFFFFC000  }
0x3a: {  	_ =	sfence.sel $0x180000  }
0x3b: {  	[bflag:$0x0] =	sbarrier.arrive $0xFFFF  }
0x3c: {  	p0 =	sne.s32 s1, $0x0;
	_ =	strace $0x90000047  }
0x3d: {  	s0 =	sadd.s32 @!p0 $0x100000, s0;
	[bflag:$0x2] =	sbarrier.arrive $0xFFFF  }
0x3e: {  	[sflag:s0] =	ssyncadd.tile.s32 @!p0 $0x1;
	_ =	shalt  }
.Lfunc_end2:
_tile_overlayer_lowered:
.L_overlay_start_2:
0x3f: {  	(tag) =	ssettag $0x2  }
0x40: {  	s0 =	rddreg [dreg:$0x0];
	s2 =	stileid.u32  }
0x41: {  	s1 =	rddreg [dreg:$0x1];
	p0 =	sne.s32 s2, $0x0  }
0x42: {  	s3 =	rddreg [dreg:$0x2];
	[bflag:$0x3] =	sbarrier.arrive $0xFFFF;
	s2 =	simm.s32 @!p0 $0x1C02  }
0x43: {  	[timem:s3], [sflag:s2] =	dma.local @!p0 [hbm:s0], s1  }
0x44: {  	s0 =	simm.s32 @!p0 $0x2  }
0x45: {  	_ =	swait.ge @!p0 [sflag:s0], s1  }
0x46: {  	s1 =	ssub.s32 @!p0 $0x0, s1;
	[sflag:s0] =	ssyncset.done @!p0 $0x0  }
0x47: {  	[sflag:s0] =	ssyncadd.s32 @!p0 s1  }
0x48: {  	[bflag:$0x3] =	sbarrier.arrive $0xFFFF  }
0x49: {  	_ =	shalt  }

</sc_bundles>
